<compile_context>
chip_gen: v7x
topology: tpu7x:2x2x1
jax: 0.10.2.dev20260603
libtpu: 0.0.44.dev20260713+nightly
codegen_flags: <defaults>
</compile_context>

<pallas_src>
import dataclasses

import jax
import jax.numpy as jnp
from jax import lax
from jax.experimental import pallas as pl
from jax.experimental.pallas import tpu as pltpu
from jax.experimental.pallas import tpu_sc as plsc

N = 10000
E = 320000
D = 128

NC = 2
NS = 16
NW = NC * NS
B = 128
BD = 128
NP = 10240
EP = NW * NP
EPT = EP // NW
NCH = EPT // B
ROWS = NP // NS
RR = NP // 128

_mesh = plsc.VectorSubcoreMesh(core_axis_name="c", subcore_axis_name="s")

_cp = pltpu.CompilerParams()
if "needs_layout_passes" in pltpu.CompilerParams.__dataclass_fields__:
    _cp = dataclasses.replace(_cp, needs_layout_passes=False)



EFULL = EPT * (NW - 1)
ELAST = E - EFULL
NPADE = EP - E


def _prep_groups(ebuf, hist_v, pk_v, ngroups):
    ones16 = jnp.full((16,), 1.0, jnp.float32)

    @pl.loop(0, ngroups)
    def _(g):
        p = g * 16
        s16 = ebuf[0, pl.ds(p, 16)]
        d16 = ebuf[1, pl.ds(p, 16)]
        hi = lax.shift_right_logical(d16, 7)
        lo = lax.bitwise_and(d16, 127)
        plsc.addupdate_scatter(hist_v, [hi, lo], ones16)
        pk_v[pl.ds(p, 16)] = lax.bitwise_or(s16, lax.shift_left(d16, 16))


def _sc_prep_body(edge_hbm, deg_hbm, pidx_hbm, ebuf, hist_v, pk_v):
    cid = lax.axis_index("c")
    sid = lax.axis_index("s")
    wid = sid * NC + cid

    @pl.loop(0, RR)
    def _(i):
        @pl.loop(0, 128, step=16)
        def _(j):
            hist_v[i, pl.ds(j, 16)] = jnp.zeros((16,), jnp.float32)

    @pl.when(wid != NW - 1)
    def _():
        pltpu.sync_copy(edge_hbm.at[:, pl.ds(wid * EPT, EPT)], ebuf)
        _prep_groups(ebuf, hist_v, pk_v, EPT // 16)

    @pl.when(wid == NW - 1)
    def _():
        pltpu.sync_copy(edge_hbm.at[:, pl.ds(EFULL, ELAST)],
                        ebuf.at[:, pl.ds(0, ELAST)])
        _prep_groups(ebuf, hist_v, pk_v, ELAST // 16)

        @pl.loop(0, NPADE // 16)
        def _(g):
            ii = lax.iota(jnp.int32, 16) + g * 16
            s = lax.rem(ii * 13 + 1, N)
            dpad = N + lax.rem(ii, NP - N)
            pk_v[pl.ds(ELAST + g * 16, 16)] = lax.bitwise_or(
                s, lax.shift_left(dpad, 16))

    pltpu.sync_copy(hist_v, deg_hbm.at[wid])
    pltpu.sync_copy(pk_v, pidx_hbm.at[pl.ds(wid * EPT, EPT)])


@jax.jit
def _sc_prep(edge_index):
    kern = pl.kernel(
        _sc_prep_body,
        out_type=[
            jax.ShapeDtypeStruct((NW, RR, 128), jnp.float32),
            jax.ShapeDtypeStruct((EP,), jnp.int32),
        ],
        mesh=_mesh,
        compiler_params=_cp,
        scratch_types=[
            pltpu.VMEM((2, EPT), jnp.int32),
            pltpu.VMEM((RR, 128), jnp.float32),
            pltpu.VMEM((EPT,), jnp.int32),
        ],
    )
    return kern(edge_index)


def _unpack_chunk(pidx_v, jc, su, du):
    @pl.loop(0, B, step=16)
    def _(k):
        v = pidx_v[pl.ds(jc * B + k, 16)]
        su[pl.ds(k, 16)] = lax.bitwise_and(v, 0xFFFF)
        du[pl.ds(k, 16)] = lax.shift_right_logical(v, 16)


NBUF = 2


def _sc_scatter_body(y_hbm, pidx_hbm, out_hbm, pidx_v, *rest):
    srcs = rest[0:NBUF]
    dsts = rest[NBUF:2 * NBUF]
    bufs = rest[2 * NBUF:3 * NBUF]
    acc_sh = rest[3 * NBUF]
    gsems = rest[3 * NBUF + 1:]
    cid = lax.axis_index("c")
    sid = lax.axis_index("s")
    wid = sid * NC + cid

    @pl.loop(0, B)
    def _(i):
        @pl.loop(0, D, step=16)
        def _(j):
            bufs[0][i, pl.ds(j, 16)] = jnp.zeros((16,), jnp.float32)

    @pl.loop(0, ROWS, step=B)
    def _(r):
        pltpu.sync_copy(bufs[0], acc_sh.at[pl.ds(sid * ROWS + r, B)])

    pltpu.sync_copy(pidx_hbm.at[pl.ds(wid * EPT, EPT)], pidx_v)
    for t in range(NBUF):
        _unpack_chunk(pidx_v, t, srcs[t], dsts[t])
        pltpu.async_copy(y_hbm.at[srcs[t]], bufs[t], gsems[t])
    plsc.subcore_barrier()

    @pl.loop(0, NCH, step=NBUF)
    def _(j):
        for t in range(NBUF):
            pltpu.make_async_copy(y_hbm.at[srcs[t]], bufs[t],
                                  gsems[t]).wait()
            pltpu.sync_copy(bufs[t], acc_sh.at[dsts[t]], add=True)

            @pl.when(j + t + NBUF < NCH)
            def _():
                _unpack_chunk(pidx_v, j + t + NBUF, srcs[t], dsts[t])
                pltpu.async_copy(y_hbm.at[srcs[t]], bufs[t], gsems[t])

    plsc.subcore_barrier()
    pltpu.sync_copy(acc_sh.at[pl.ds(sid * ROWS, ROWS)],
                    out_hbm.at[cid, pl.ds(sid * ROWS, ROWS)])


@jax.jit
def _sc_scatter(y, pidx):
    kern = pl.kernel(
        _sc_scatter_body,
        out_type=jax.ShapeDtypeStruct((NC, NP, D), jnp.float32),
        mesh=_mesh,
        compiler_params=_cp,
        scratch_types=(
            [pltpu.VMEM((EPT,), jnp.int32)]
            + [pltpu.VMEM((B,), jnp.int32) for _ in range(2 * NBUF)]
            + [pltpu.VMEM((B, D), jnp.float32) for _ in range(NBUF)]
            + [pltpu.VMEM_SHARED((NP, D), jnp.float32)]
            + [pltpu.SemaphoreType.DMA for _ in range(NBUF)]
        ),
    )
    return kern(y, pidx)



def _deginv_body(degp_ref, dinv2d_ref):
    deg = jnp.sum(degp_ref[...], axis=0) + 1.0
    dinv2d_ref[...] = lax.rsqrt(deg)


def _tc_deginv(degp):
    return pl.pallas_call(
        _deginv_body,
        out_shape=jax.ShapeDtypeStruct((RR, 128), jnp.float32),
    )(degp)


def _matmul_body(x_ref, w_ref, o_ref):
    o_ref[...] = jnp.dot(x_ref[...], w_ref[...],
                         preferred_element_type=jnp.float32)


def _tc_matmul(x, w):
    return pl.pallas_call(
        _matmul_body,
        out_shape=jax.ShapeDtypeStruct((N, D), jnp.float32),
    )(x, w)


def _scale_body(dinv_ref, xw_ref, y_ref):
    y_ref[...] = xw_ref[...] * dinv_ref[...]


def _tc_scale(dinv, xw):
    return pl.pallas_call(
        _scale_body,
        out_shape=jax.ShapeDtypeStruct((N, D), jnp.float32),
    )(dinv, xw)


def _mid_body(acc_ref, y_ref, dinv_ref, b_ref, w_ref, o_ref):
    dinv = dinv_ref[...]
    h = dinv * (acc_ref[0][:N] + acc_ref[1][:N] + y_ref[...]) + b_ref[...]
    h = jnp.where(h >= 0, h, 0.01 * h)
    o_ref[...] = jnp.dot(h, w_ref[...],
                         preferred_element_type=jnp.float32) * dinv


def _tc_mid(accp, y, dinv, b, w):
    return pl.pallas_call(
        _mid_body,
        out_shape=jax.ShapeDtypeStruct((N, D), jnp.float32),
    )(accp, y, dinv, b, w)


def _final_body(acc_ref, y_ref, dinv_ref, b3_ref,
                wf1_ref, bf1_ref, wf2_ref, bf2_ref, wf3_ref, bf3_ref, o_ref):
    h = (dinv_ref[...] * (acc_ref[0][:N] + acc_ref[1][:N] + y_ref[...])
         + b3_ref[...])
    pooled = jnp.concatenate(
        [jnp.mean(h[i * 400:(i + 1) * 400, :], axis=0, keepdims=True)
         for i in range(25)], axis=0)
    g = jnp.dot(pooled, wf1_ref[...],
                preferred_element_type=jnp.float32) + bf1_ref[...]
    g = jnp.where(g >= 0, g, 0.01 * g)
    g = jnp.dot(g, wf2_ref[...],
                preferred_element_type=jnp.float32) + bf2_ref[...]
    g = jnp.where(g >= 0, g, 0.01 * g)
    o_ref[...] = jnp.dot(g, wf3_ref[...],
                         preferred_element_type=jnp.float32) + bf3_ref[...]


def _tc_final(accp, y, dinv, b3, wf1, bf1, wf2, bf2, wf3, bf3):
    return pl.pallas_call(
        _final_body,
        out_shape=jax.ShapeDtypeStruct((25, 16), jnp.float32),
    )(accp, y, dinv, b3, wf1, bf1, wf2, bf2, wf3, bf3)



def kernel(x, edge_index, W1, b1, W2, b2, W3, b3,
           Wf1, bf1, Wf2, bf2, Wf3, bf3):
    ei = edge_index.astype(jnp.int32)
    b1r = b1.reshape(1, -1)
    b2r = b2.reshape(1, -1)
    b3r = b3.reshape(1, -1)
    bf1r = bf1.reshape(1, -1)
    bf2r = bf2.reshape(1, -1)
    bf3r = bf3.reshape(1, -1)

    xw1 = _tc_matmul(x, W1)
    degp, pidx = _sc_prep(ei)
    dinv2d = _tc_deginv(degp)
    dinv = dinv2d.reshape(NP, 1)[:N]
    y1 = _tc_scale(dinv, xw1)

    acc1 = _sc_scatter(y1, pidx)
    y2 = _tc_mid(acc1, y1, dinv, b1r, W2)
    acc2 = _sc_scatter(y2, pidx)
    y3 = _tc_mid(acc2, y2, dinv, b2r, W3)
    acc3 = _sc_scatter(y3, pidx)
    return _tc_final(acc3, y3, dinv, b3r, Wf1, bf1r, Wf2, bf2r, Wf3, bf3r)

# --- scband reference (transcript-rebuilt; emitter-appended) ---
"""Pipeline reference for scband-gcn-50723563766325 (READ-ONLY COPY).

The authoritative reference and input builder live on the scoring server;
editing this copy changes nothing except your own understanding.
"""

import jax, jax.numpy as jnp
import numpy as np

N = 10000
E = 320000
D = 128
H = 128
C = 16


def gcn_conv(x, edge_index, W, b):
    n = x.shape[0]
    xw = x @ W
    loop = jnp.arange(n, dtype=edge_index.dtype)
    src = jnp.concatenate([edge_index[0], loop])
    dst = jnp.concatenate([edge_index[1], loop])
    ew = jnp.ones(src.shape[0], dtype=xw.dtype)
    deg = jnp.zeros(n, dtype=xw.dtype).at[dst].add(ew)
    dinv = jnp.where(deg > 0, deg ** -0.5, 0.0)
    norm = dinv[src] * ew * dinv[dst]
    msg = xw[src] * norm[:, None]
    out = jnp.zeros_like(xw).at[dst].add(msg)
    return out + b


def setup_inputs(seed: int = 0) -> dict:
    key = jax.random.key(seed)
    ks = jax.random.split(key, 16)
    x = jax.random.normal(ks[0], (N, D), dtype=jnp.float32)
    edge_index = jax.random.randint(ks[1], (2, E), 0, N, dtype=jnp.int64)
    s = lambda f: 1.0 / np.sqrt(f)
    W1 = jax.random.normal(ks[2], (D, H), dtype=jnp.float32) * s(D)
    b1 = jnp.zeros((H,), dtype=jnp.float32)
    W2 = jax.random.normal(ks[3], (H, H), dtype=jnp.float32) * s(H)
    b2 = jnp.zeros((H,), dtype=jnp.float32)
    W3 = jax.random.normal(ks[4], (H, H), dtype=jnp.float32) * s(H)
    b3 = jnp.zeros((H,), dtype=jnp.float32)
    Wf1 = jax.random.normal(ks[5], (H, H // 2), dtype=jnp.float32) * s(H)
    bf1 = jnp.zeros((H // 2,), dtype=jnp.float32)
    Wf2 = jax.random.normal(ks[6], (H // 2, H // 4), dtype=jnp.float32) * s(H // 2)
    bf2 = jnp.zeros((H // 4,), dtype=jnp.float32)
    Wf3 = jax.random.normal(ks[7], (H // 4, C), dtype=jnp.float32) * s(H // 4)
    bf3 = jnp.zeros((C,), dtype=jnp.float32)
    return {"x": x, "edge_index": edge_index, "W1": W1, "b1": b1, "W2": W2, "b2": b2,
            "W3": W3, "b3": b3, "Wf1": Wf1, "bf1": bf1, "Wf2": Wf2, "bf2": bf2,
            "Wf3": Wf3, "bf3": bf3}


def reference(x, edge_index, W1, b1, W2, b2, W3, b3, Wf1, bf1, Wf2, bf2, Wf3, bf3):
    h = gcn_conv(x, edge_index, W1, b1)
    h = jax.nn.leaky_relu(h, negative_slope=0.01)
    h = gcn_conv(h, edge_index, W2, b2)
    h = jax.nn.leaky_relu(h, negative_slope=0.01)
    h = gcn_conv(h, edge_index, W3, b3)
    bs = h.shape[0] // 400
    h = h.reshape(bs, 400, -1).mean(axis=1)
    h = jax.nn.leaky_relu(h @ Wf1 + bf1, negative_slope=0.01)
    h = jax.nn.leaky_relu(h @ Wf2 + bf2, negative_slope=0.01)
    h = h @ Wf3 + bf3
    return h

if __name__ == "__main__":
    import jax
    _d = setup_inputs()
    print(jax.jit(kernel)(*tuple(_d.values())))

</pallas_src>

<mosaic_0001>
#map = affine_map<(d0, d1) -> (0, 0)>
#map1 = affine_map<(d0, d1) -> (0, 0, 0)>
#map2 = affine_map<(d0, d1) -> (0)>
module attributes {stable_mosaic.version = 14 : i64} {
  func.func @_sc_prep_body(%arg0: i32, %arg1: i32, %arg2: memref<2x320000xi32, #tpu.memory_space<hbm>>, %arg3: memref<32x80x128xf32, #tpu.memory_space<hbm>>, %arg4: memref<327680xi32, #tpu.memory_space<hbm>>, %arg5: memref<2x10240xi32, #tpu.memory_space<vmem>>, %arg6: memref<80x128xf32, #tpu.memory_space<vmem>>, %arg7: memref<10240xi32, #tpu.memory_space<vmem>>) attributes {dimension_semantics = [#tpu.dimension_semantics<core_parallel>, #tpu.dimension_semantics<subcore_parallel>], iteration_bounds = array<i64: 2, 16>, scalar_prefetch = 0 : i64, scratch_operands = 3 : i64, tpu.core_type = #tpu.core_type<sc_vector_subcore>, window_params = [{transform_indices = #map}, {transform_indices = #map1}, {transform_indices = #map2}]} {
    %mul3A = arith.constant 2 : i32
    %mul3A_0 = arith.muli %arg1, %mul3A : i32
    %add3A = arith.addi %mul3A_0, %arg0 : i32
    %scan3A = arith.constant 0 : i32
    %scan3A_1 = arith.constant 80 : i32
    %scan3A_2 = arith.addi %scan3A, %scan3A_1 : i32
    %scan3A_3 = arith.constant 1 : i32
    scf.for %scan3A_13 = %scan3A to %scan3A_2 step %scan3A_3  : i32 {
      %mul3A_14 = arith.constant 1 : i32
      %mul3A_15 = arith.muli %scan3A_13, %mul3A_14 : i32
      %add3A_16 = arith.constant 0 : i32
      %add3A_17 = arith.addi %add3A_16, %mul3A_15 : i32
      %scan3A_18 = arith.constant 0 : i32
      %scan3A_19 = arith.constant 8 : i32
      %scan3A_20 = arith.addi %scan3A_18, %scan3A_19 : i32
      %scan3A_21 = arith.constant 1 : i32
      scf.for %scan3A_23 = %scan3A_18 to %scan3A_20 step %scan3A_21  : i32 {
        %mul3A_24 = arith.constant 16 : i32
        %mul3A_25 = arith.muli %scan3A_23, %mul3A_24 : i32
        %add3A_26 = arith.constant 0 : i32
        %add3A_27 = arith.addi %add3A_26, %mul3A_25 : i32
        %broadcast_in_dim3A = arith.constant 0.000000e+00 : f32
        %broadcast_in_dim3A_28 = vector.broadcast %broadcast_in_dim3A : f32 to vector<16xf32>
        %swap3A = arith.index_cast %add3A_17 : i32 to index
        %swap3A_29 = arith.index_cast %add3A_27 : i32 to index
        %swap3A_30 = tpu.vector_load %arg6[%swap3A, %swap3A_29] {strides = array<i32>} : memref<80x128xf32, #tpu.memory_space<vmem>>, vector<16xf32>,
        tpu.vector_store %arg6[%swap3A, %swap3A_29], %broadcast_in_dim3A_28 {strides = array<i32>} : memref<80x128xf32, #tpu.memory_space<vmem>>, vector<16xf32>,
      }
      %scan3A_22 = arith.constant 8 : i32
    }
    %scan3A_4 = arith.constant 80 : i32
    %ne3A = arith.constant 31 : i32
    %ne3A_5 = arith.cmpi ne, %add3A, %ne3A : i32
    %convert_element_type3A = arith.extui %ne3A_5 : i1 to i32
    %cond3A = arith.constant 0 : i32
    %cond3A_6 = arith.cmpi ne, %convert_element_type3A, %cond3A : i32
    scf.if %cond3A_6 {
      %mul3A_13 = arith.constant 10240 : i32
      %mul3A_14 = arith.muli %add3A, %mul3A_13 : i32
      "tpu.region"() ({
        %run_scoped3A = tpu.sem_alloc : memref<!tpu.dma_semaphore, #tpu.memory_space<semaphore_mem>>
        %dma_start3A = arith.constant 0 : i32
        %dma_start3A_21 = tpu.memref_slice %arg2[%dma_start3A, %mul3A_14] : memref<2x320000xi32, #tpu.memory_space<hbm>> -> memref<2x10240xi32, #tpu.memory_space<hbm>>
        %dma_start3A_22 = arith.constant 0 : i32
        %dma_start3A_23 = tpu.memref_slice %arg2[%dma_start3A_22, %mul3A_14] : memref<2x320000xi32, #tpu.memory_space<hbm>> -> memref<2x10240xi32, #tpu.memory_space<hbm>>
        tpu.enqueue_dma source(%dma_start3A_23 : memref<2x10240xi32, #tpu.memory_space<hbm>>) target(%arg5 : memref<2x10240xi32, #tpu.memory_space<vmem>>) target_semaphore(%run_scoped3A : memref<!tpu.dma_semaphore, #tpu.memory_space<semaphore_mem>>)
        %dma_wait3A = arith.constant 0 : i32
        %dma_wait3A_24 = tpu.memref_slice %arg2[%dma_wait3A, %mul3A_14] : memref<2x320000xi32, #tpu.memory_space<hbm>> -> memref<2x10240xi32, #tpu.memory_space<hbm>>
        %dma_wait3A_25 = arith.constant 0 : i32
        %dma_wait3A_26 = tpu.memref_slice %arg2[%dma_wait3A_25, %mul3A_14] : memref<2x320000xi32, #tpu.memory_space<hbm>> -> memref<2x10240xi32, #tpu.memory_space<hbm>>
        tpu.wait_dma2 semaphore(%run_scoped3A : memref<!tpu.dma_semaphore, #tpu.memory_space<semaphore_mem>>) src(%dma_wait3A_26 : memref<2x10240xi32, #tpu.memory_space<hbm>>) dst(%arg5 : memref<2x10240xi32, #tpu.memory_space<vmem>>)
        tpu.yield
      }) : () -> ()
      %broadcast_in_dim3A = arith.constant 1.000000e+00 : f32
      %broadcast_in_dim3A_15 = vector.broadcast %broadcast_in_dim3A : f32 to vector<16xf32>
      %scan3A_16 = arith.constant 0 : i32
      %scan3A_17 = arith.constant 640 : i32
      %scan3A_18 = arith.addi %scan3A_16, %scan3A_17 : i32
      %scan3A_19 = arith.constant 1 : i32
      scf.for %scan3A_21 = %scan3A_16 to %scan3A_18 step %scan3A_19  : i32 {
        %mul3A_22 = arith.constant 1 : i32
        %mul3A_23 = arith.muli %scan3A_21, %mul3A_22 : i32
        %add3A_24 = arith.constant 0 : i32
        %add3A_25 = arith.addi %add3A_24, %mul3A_23 : i32
        %mul3A_26 = arith.constant 16 : i32
        %mul3A_27 = arith.muli %add3A_25, %mul3A_26 : i32
        %get3A = arith.constant 0 : i32
        %get3A_28 = arith.index_cast %get3A : i32 to index
        %get3A_29 = arith.index_cast %mul3A_27 : i32 to index
        %get3A_30 = tpu.vector_load %arg5[%get3A_28, %get3A_29] {strides = array<i32>} : memref<2x10240xi32, #tpu.memory_space<vmem>>, vector<16xi32>,
        %get3A_31 = arith.constant 1 : i32
        %get3A_32 = arith.index_cast %get3A_31 : i32 to index
        %get3A_33 = arith.index_cast %mul3A_27 : i32 to index
        %get3A_34 = tpu.vector_load %arg5[%get3A_32, %get3A_33] {strides = array<i32>} : memref<2x10240xi32, #tpu.memory_space<vmem>>, vector<16xi32>,
        %shift_right_logical3A = arith.constant 7 : i32
        %shift_right_logical3A_35 = vector.broadcast %shift_right_logical3A : i32 to vector<16xi32>
        %shift_right_logical3A_36 = arith.shrui %get3A_34, %shift_right_logical3A_35 : vector<16xi32>
        %and3A = arith.constant 127 : i32
        %and3A_37 = vector.broadcast %and3A : i32 to vector<16xi32>
        %and3A_38 = arith.andi %get3A_34, %and3A_37 : vector<16xi32>
        tpu.vector_store_idx %arg6[%shift_right_logical3A_36, %and3A_38], %broadcast_in_dim3A_15 {add = true} : memref<80x128xf32, #tpu.memory_space<vmem>>[vector<16xi32>, vector<16xi32>], vector<16xf32>,
        %shift_left3A = arith.constant 16 : i32
        %shift_left3A_39 = vector.broadcast %shift_left3A : i32 to vector<16xi32>
        %shift_left3A_40 = arith.shli %get3A_34, %shift_left3A_39 : vector<16xi32>
        %or3A = arith.ori %get3A_30, %shift_left3A_40 : vector<16xi32>
        %swap3A = arith.index_cast %mul3A_27 : i32 to index
        %swap3A_41 = tpu.vector_load %arg7[%swap3A] {strides = array<i32>} : memref<10240xi32, #tpu.memory_space<vmem>>, vector<16xi32>,
        tpu.vector_store %arg7[%swap3A], %or3A {strides = array<i32>} : memref<10240xi32, #tpu.memory_space<vmem>>, vector<16xi32>,
      }
      %scan3A_20 = arith.constant 640 : i32
    } else {
    }
    %eq3A = arith.constant 31 : i32
    %eq3A_7 = arith.cmpi eq, %add3A, %eq3A : i32
    %convert_element_type3A_8 = arith.extui %eq3A_7 : i1 to i32
    %cond3A_9 = arith.constant 0 : i32
    %cond3A_10 = arith.cmpi ne, %convert_element_type3A_8, %cond3A_9 : i32
    scf.if %cond3A_10 {
      "tpu.region"() ({
        %run_scoped3A = tpu.sem_alloc : memref<!tpu.dma_semaphore, #tpu.memory_space<semaphore_mem>>
        %dma_start3A = arith.constant 0 : i32
        %dma_start3A_24 = arith.constant 0 : i32
        %dma_start3A_25 = tpu.memref_slice %arg5[%dma_start3A, %dma_start3A_24] : memref<2x10240xi32, #tpu.memory_space<vmem>> -> memref<2x2560xi32, #tpu.memory_space<vmem>>
        %dma_start3A_26 = arith.constant 0 : i32
        %dma_start3A_27 = arith.constant 317440 : i32
        %dma_start3A_28 = tpu.memref_slice %arg2[%dma_start3A_26, %dma_start3A_27] : memref<2x320000xi32, #tpu.memory_space<hbm>> -> memref<2x2560xi32, #tpu.memory_space<hbm>>
        %dma_start3A_29 = arith.constant 0 : i32
        %dma_start3A_30 = arith.constant 0 : i32
        %dma_start3A_31 = tpu.memref_slice %arg5[%dma_start3A_29, %dma_start3A_30] : memref<2x10240xi32, #tpu.memory_space<vmem>> -> memref<2x2560xi32, #tpu.memory_space<vmem>>
        %dma_start3A_32 = arith.constant 0 : i32
        %dma_start3A_33 = arith.constant 317440 : i32
        %dma_start3A_34 = tpu.memref_slice %arg2[%dma_start3A_32, %dma_start3A_33] : memref<2x320000xi32, #tpu.memory_space<hbm>> -> memref<2x2560xi32, #tpu.memory_space<hbm>>
        tpu.enqueue_dma source(%dma_start3A_34 : memref<2x2560xi32, #tpu.memory_space<hbm>>) target(%dma_start3A_31 : memref<2x2560xi32, #tpu.memory_space<vmem>>) target_semaphore(%run_scoped3A : memref<!tpu.dma_semaphore, #tpu.memory_space<semaphore_mem>>)
        %dma_wait3A = arith.constant 0 : i32
        %dma_wait3A_35 = arith.constant 0 : i32
        %dma_wait3A_36 = tpu.memref_slice %arg5[%dma_wait3A, %dma_wait3A_35] : memref<2x10240xi32, #tpu.memory_space<vmem>> -> memref<2x2560xi32, #tpu.memory_space<vmem>>
        %dma_wait3A_37 = arith.constant 0 : i32
        %dma_wait3A_38 = arith.constant 317440 : i32
        %dma_wait3A_39 = tpu.memref_slice %arg2[%dma_wait3A_37, %dma_wait3A_38] : memref<2x320000xi32, #tpu.memory_space<hbm>> -> memref<2x2560xi32, #tpu.memory_space<hbm>>
        %dma_wait3A_40 = arith.constant 0 : i32
        %dma_wait3A_41 = arith.constant 0 : i32
        %dma_wait3A_42 = tpu.memref_slice %arg5[%dma_wait3A_40, %dma_wait3A_41] : memref<2x10240xi32, #tpu.memory_space<vmem>> -> memref<2x2560xi32, #tpu.memory_space<vmem>>
        %dma_wait3A_43 = arith.constant 0 : i32
        %dma_wait3A_44 = arith.constant 317440 : i32
        %dma_wait3A_45 = tpu.memref_slice %arg2[%dma_wait3A_43, %dma_wait3A_44] : memref<2x320000xi32, #tpu.memory_space<hbm>> -> memref<2x2560xi32, #tpu.memory_space<hbm>>
        tpu.wait_dma2 semaphore(%run_scoped3A : memref<!tpu.dma_semaphore, #tpu.memory_space<semaphore_mem>>) src(%dma_wait3A_45 : memref<2x2560xi32, #tpu.memory_space<hbm>>) dst(%dma_wait3A_42 : memref<2x2560xi32, #tpu.memory_space<vmem>>)
        tpu.yield
      }) : () -> ()
      %broadcast_in_dim3A = arith.constant 1.000000e+00 : f32
      %broadcast_in_dim3A_13 = vector.broadcast %broadcast_in_dim3A : f32 to vector<16xf32>
      %scan3A_14 = arith.constant 0 : i32
      %scan3A_15 = arith.constant 160 : i32
      %scan3A_16 = arith.addi %scan3A_14, %scan3A_15 : i32
      %scan3A_17 = arith.constant 1 : i32
      scf.for %scan3A_24 = %scan3A_14 to %scan3A_16 step %scan3A_17  : i32 {
        %mul3A_25 = arith.constant 1 : i32
        %mul3A_26 = arith.muli %scan3A_24, %mul3A_25 : i32
        %add3A_27 = arith.constant 0 : i32
        %add3A_28 = arith.addi %add3A_27, %mul3A_26 : i32
        %mul3A_29 = arith.constant 16 : i32
        %mul3A_30 = arith.muli %add3A_28, %mul3A_29 : i32
        %get3A = arith.constant 0 : i32
        %get3A_31 = arith.index_cast %get3A : i32 to index
        %get3A_32 = arith.index_cast %mul3A_30 : i32 to index
        %get3A_33 = tpu.vector_load %arg5[%get3A_31, %get3A_32] {strides = array<i32>} : memref<2x10240xi32, #tpu.memory_space<vmem>>, vector<16xi32>,
        %get3A_34 = arith.constant 1 : i32
        %get3A_35 = arith.index_cast %get3A_34 : i32 to index
        %get3A_36 = arith.index_cast %mul3A_30 : i32 to index
        %get3A_37 = tpu.vector_load %arg5[%get3A_35, %get3A_36] {strides = array<i32>} : memref<2x10240xi32, #tpu.memory_space<vmem>>, vector<16xi32>,
        %shift_right_logical3A = arith.constant 7 : i32
        %shift_right_logical3A_38 = vector.broadcast %shift_right_logical3A : i32 to vector<16xi32>
        %shift_right_logical3A_39 = arith.shrui %get3A_37, %shift_right_logical3A_38 : vector<16xi32>
        %and3A = arith.constant 127 : i32
        %and3A_40 = vector.broadcast %and3A : i32 to vector<16xi32>
        %and3A_41 = arith.andi %get3A_37, %and3A_40 : vector<16xi32>
        tpu.vector_store_idx %arg6[%shift_right_logical3A_39, %and3A_41], %broadcast_in_dim3A_13 {add = true} : memref<80x128xf32, #tpu.memory_space<vmem>>[vector<16xi32>, vector<16xi32>], vector<16xf32>,
        %shift_left3A = arith.constant 16 : i32
        %shift_left3A_42 = vector.broadcast %shift_left3A : i32 to vector<16xi32>
        %shift_left3A_43 = arith.shli %get3A_37, %shift_left3A_42 : vector<16xi32>
        %or3A = arith.ori %get3A_33, %shift_left3A_43 : vector<16xi32>
        %swap3A = arith.index_cast %mul3A_30 : i32 to index
        %swap3A_44 = tpu.vector_load %arg7[%swap3A] {strides = array<i32>} : memref<10240xi32, #tpu.memory_space<vmem>>, vector<16xi32>,
        tpu.vector_store %arg7[%swap3A], %or3A {strides = array<i32>} : memref<10240xi32, #tpu.memory_space<vmem>>, vector<16xi32>,
      }
      %scan3A_18 = arith.constant 160 : i32
      %scan3A_19 = arith.constant 0 : i32
      %scan3A_20 = arith.constant 480 : i32
      %scan3A_21 = arith.addi %scan3A_19, %scan3A_20 : i32
      %scan3A_22 = arith.constant 1 : i32
      scf.for %scan3A_24 = %scan3A_19 to %scan3A_21 step %scan3A_22  : i32 {
        %mul3A_25 = arith.constant 1 : i32
        %mul3A_26 = arith.muli %scan3A_24, %mul3A_25 : i32
        %add3A_27 = arith.constant 0 : i32
        %add3A_28 = arith.addi %add3A_27, %mul3A_26 : i32
        %iota3A = tpu.iota {dimensions = array<i32: 0>} : vector<16xi32>
        %mul3A_29 = arith.constant 16 : i32
        %mul3A_30 = arith.muli %add3A_28, %mul3A_29 : i32
        %add3A_31 = vector.broadcast %mul3A_30 : i32 to vector<16xi32>
        %add3A_32 = arith.addi %iota3A, %add3A_31 : vector<16xi32>
        %mul3A_33 = arith.constant 13 : i32
        %mul3A_34 = vector.broadcast %mul3A_33 : i32 to vector<16xi32>
        %mul3A_35 = arith.muli %add3A_32, %mul3A_34 : vector<16xi32>
        %add3A_36 = arith.constant 1 : i32
        %add3A_37 = vector.broadcast %add3A_36 : i32 to vector<16xi32>
        %add3A_38 = arith.addi %mul3A_35, %add3A_37 : vector<16xi32>
        %rem3A = arith.constant 10000 : i32
        %rem3A_39 = vector.broadcast %rem3A : i32 to vector<16xi32>
        %rem3A_40 = arith.remsi %add3A_38, %rem3A_39 : vector<16xi32>
        %rem3A_41 = arith.constant 240 : i32
        %rem3A_42 = vector.broadcast %rem3A_41 : i32 to vector<16xi32>
        %rem3A_43 = arith.remsi %add3A_32, %rem3A_42 : vector<16xi32>
        %add3A_44 = arith.constant 10000 : i32
        %add3A_45 = vector.broadcast %add3A_44 : i32 to vector<16xi32>
        %add3A_46 = arith.addi %add3A_45, %rem3A_43 : vector<16xi32>
        %shift_left3A = arith.constant 16 : i32
        %shift_left3A_47 = vector.broadcast %shift_left3A : i32 to vector<16xi32>
        %shift_left3A_48 = arith.shli %add3A_46, %shift_left3A_47 : vector<16xi32>
        %or3A = arith.ori %rem3A_40, %shift_left3A_48 : vector<16xi32>
        %mul3A_49 = arith.constant 16 : i32
        %mul3A_50 = arith.muli %add3A_28, %mul3A_49 : i32
        %add3A_51 = arith.constant 2560 : i32
        %add3A_52 = arith.addi %add3A_51, %mul3A_50 : i32
        %swap3A = arith.index_cast %add3A_52 : i32 to index
        %swap3A_53 = tpu.vector_load %arg7[%swap3A] {strides = array<i32>} : memref<10240xi32, #tpu.memory_space<vmem>>, vector<16xi32>,
        tpu.vector_store %arg7[%swap3A], %or3A {strides = array<i32>} : memref<10240xi32, #tpu.memory_space<vmem>>, vector<16xi32>,
      }
      %scan3A_23 = arith.constant 480 : i32
    } else {
    }
    "tpu.region"() ({
      %run_scoped3A = tpu.sem_alloc : memref<!tpu.dma_semaphore, #tpu.memory_space<semaphore_mem>>
      %dma_start3A = arith.constant 0 : i32
      %dma_start3A_13 = arith.constant 0 : i32
      %dma_start3A_14 = tpu.memref_slice %arg3[%add3A, %dma_start3A, %dma_start3A_13] : memref<32x80x128xf32, #tpu.memory_space<hbm>> -> memref<1x80x128xf32, #tpu.memory_space<hbm>>
      %dma_start3A_15 = tpu.memref_squeeze %dma_start3A_14 : memref<1x80x128xf32, #tpu.memory_space<hbm>> -> memref<80x128xf32, #tpu.memory_space<hbm>>
      %dma_start3A_16 = arith.constant 0 : i32
      %dma_start3A_17 = arith.constant 0 : i32
      %dma_start3A_18 = tpu.memref_slice %arg3[%add3A, %dma_start3A_16, %dma_start3A_17] : memref<32x80x128xf32, #tpu.memory_space<hbm>> -> memref<1x80x128xf32, #tpu.memory_space<hbm>>
      %dma_start3A_19 = tpu.memref_squeeze %dma_start3A_18 : memref<1x80x128xf32, #tpu.memory_space<hbm>> -> memref<80x128xf32, #tpu.memory_space<hbm>>
      tpu.enqueue_dma source(%arg6 : memref<80x128xf32, #tpu.memory_space<vmem>>) target(%dma_start3A_19 : memref<80x128xf32, #tpu.memory_space<hbm>>) target_semaphore(%run_scoped3A : memref<!tpu.dma_semaphore, #tpu.memory_space<semaphore_mem>>)
      %dma_wait3A = arith.constant 0 : i32
      %dma_wait3A_20 = arith.constant 0 : i32
      %dma_wait3A_21 = tpu.memref_slice %arg3[%add3A, %dma_wait3A, %dma_wait3A_20] : memref<32x80x128xf32, #tpu.memory_space<hbm>> -> memref<1x80x128xf32, #tpu.memory_space<hbm>>
      %dma_wait3A_22 = tpu.memref_squeeze %dma_wait3A_21 : memref<1x80x128xf32, #tpu.memory_space<hbm>> -> memref<80x128xf32, #tpu.memory_space<hbm>>
      %dma_wait3A_23 = arith.constant 0 : i32
      %dma_wait3A_24 = arith.constant 0 : i32
      %dma_wait3A_25 = tpu.memref_slice %arg3[%add3A, %dma_wait3A_23, %dma_wait3A_24] : memref<32x80x128xf32, #tpu.memory_space<hbm>> -> memref<1x80x128xf32, #tpu.memory_space<hbm>>
      %dma_wait3A_26 = tpu.memref_squeeze %dma_wait3A_25 : memref<1x80x128xf32, #tpu.memory_space<hbm>> -> memref<80x128xf32, #tpu.memory_space<hbm>>
      tpu.wait_dma2 semaphore(%run_scoped3A : memref<!tpu.dma_semaphore, #tpu.memory_space<semaphore_mem>>) src(%arg6 : memref<80x128xf32, #tpu.memory_space<vmem>>) dst(%dma_wait3A_26 : memref<80x128xf32, #tpu.memory_space<hbm>>)
      tpu.yield
    }) : () -> ()
    %mul3A_11 = arith.constant 10240 : i32
    %mul3A_12 = arith.muli %add3A, %mul3A_11 : i32
    "tpu.region"() ({
      %run_scoped3A = tpu.sem_alloc : memref<!tpu.dma_semaphore, #tpu.memory_space<semaphore_mem>>
      %dma_start3A = tpu.memref_slice %arg4[%mul3A_12] : memref<327680xi32, #tpu.memory_space<hbm>> -> memref<10240xi32, #tpu.memory_space<hbm>>
      %dma_start3A_13 = tpu.memref_slice %arg4[%mul3A_12] : memref<327680xi32, #tpu.memory_space<hbm>> -> memref<10240xi32, #tpu.memory_space<hbm>>
      tpu.enqueue_dma source(%arg7 : memref<10240xi32, #tpu.memory_space<vmem>>) target(%dma_start3A_13 : memref<10240xi32, #tpu.memory_space<hbm>>) target_semaphore(%run_scoped3A : memref<!tpu.dma_semaphore, #tpu.memory_space<semaphore_mem>>)
      %dma_wait3A = tpu.memref_slice %arg4[%mul3A_12] : memref<327680xi32, #tpu.memory_space<hbm>> -> memref<10240xi32, #tpu.memory_space<hbm>>
      %dma_wait3A_14 = tpu.memref_slice %arg4[%mul3A_12] : memref<327680xi32, #tpu.memory_space<hbm>> -> memref<10240xi32, #tpu.memory_space<hbm>>
      tpu.wait_dma2 semaphore(%run_scoped3A : memref<!tpu.dma_semaphore, #tpu.memory_space<semaphore_mem>>) src(%arg7 : memref<10240xi32, #tpu.memory_space<vmem>>) dst(%dma_wait3A_14 : memref<10240xi32, #tpu.memory_space<hbm>>)
      tpu.yield
    }) : () -> ()
    return
  }
}

</mosaic_0001>

<sc_bundles>
// kernel: _sc_prep.3.cloned.1.call-start
scs
__scs_entry_jumppad:
0x0: {  	(pc) =	sbr.rel $0x88, $3  }
0x1: {  	(tag) =	ssettag $0x0;
	lr =	simm.s32 $0x1  }
0x2: {  	[smem:$0x3FA0] =	sst lr;
	_ =	strace $0xD0000000  }
0x3: {  	_ = 	snop  }
0x4: {  	_ = 	snop  }
0x5: {  	_ = 	snop  }
0x6: {  	_ = 	snop  }
0x7: {  	_ = 	snop  }
__scs_overlays_trampoline_lowered:
0x8: {  	[smem:$0x3FAF] =	sst s0  }
0x9: {  	[smem:$0x3FB0] =	sst s1  }
0xa: {  	[smem:$0x3FB1] =	sst s2  }
0xb: {  	[smem:$0x3FB2] =	sst s3  }
0xc: {  	[smem:$0x3FB3] =	sst s4  }
0xd: {  	[smem:$0x3FB4] =	sst s5  }
0xe: {  	[smem:$0x3FB5] =	sst s6  }
0xf: {  	[smem:$0x3FB6] =	sst s7  }
0x10: {  	[smem:$0x3FB7] =	sst s8  }
0x11: {  	[smem:$0x3FB8] =	sst s9;
	s0 =	simm.s32 @!p0 $0x0  }
0x12: {  	s1 =	sld [smem:$0x3F9E];
	s0 =	simm.s32 @p0 $0x1  }
0x13: {  	[smem:$0x3FB9] =	sst s0;
	s0 =	simm.s32 @!p1 $0x0  }
0x14: {  	s2 =	sld [smem:$0x3F9D];
	s0 =	simm.s32 @p1 $0x1  }
0x15: {  	[smem:$0x3FBA] =	sst s0;
	s0 =	simm.s32 @!p2 $0x0  }
0x16: {  	s3 =	sld [smem:$0x3FDB];
	s0 =	simm.s32 @p2 $0x1  }
0x17: {  	s4 =	simm.s32 $0x1BF5;
	[smem:$0x3FBC] =	sst s0  }
0x18: {  	s0 =	sld [smem:$0x3F9F];
	_ =	swait.ge [sflag:s4], $0x0  }
0x19: {  	s7 =	sld [smem:$0x3FA0]  }
0x1a: {  	s8 =	sadd.s32 $0xFFFFE003, lr  }
0x1b: {  	s9 =	sadd.s32 $0xFFFFFEF7, lr;
	s5 =	simm.s32 $0xFFFFFFFF;
	p2 =	slt.u32 s8, $0xFFFFF086  }
0x1c: {  	p1 =	slt.u32 s9, $0xF7A;
	s5 =	simm.s32 @!p2 $0x0  }
0x1d: {  	s5 =	simm.s32 @p1 $0x1;
	p0 =	seq.s32 s7, s2  }
0x1e: {  	s7 =	smul.u32 @!p0 $0xF7A, s2;
	p2 =	seq.s32 @!p0 s5, $0x0  }
0x1f: {  	s9 =	smul.u32 $0xF7A, s1;
	s8 =	simm.s32 @!p0 $0x1BF5;
	p2 =	por !p2, p0  }
0x20: {  	[sflag:s8] =	ssyncset.s32 @!p0 $0xFFFFF086;
	s6 =	sadd.s32 @!p0 s3, s7;
	s7 =	simm.s32 @!p0 $0x108  }
0x21: {  	s3 =	sadd.s32 s3, s9;
	s6 =	sadd.s32 @!p0 $0x88, s6;
	s7 =	simm.s32 @p2 $0x1082  }
0x22: {  	[simem:s7], [sflag:s8] =	dma.local @!p0 [hbm:s6], $0xF7A  }
0x23: {  	s9 =	sor.u32 $0xD0000000, s2;
	s6 =	simm.s32 $0x108;
	_ =	swait.ge @!p0 [sflag:s8], $0x0  }
0x24: {  	s3 =	sadd.s32 $0x88, s3;
	s6 =	simm.s32 @!p1 $0x1082;
	[sflag:s4] =	ssyncset.s32 $0xFFFFF086  }
0x25: {  	[simem:s6], [sflag:s4] =	dma.local [hbm:s3], $0xF7A  }
0x26: {  	[smem:$0x3FA0] =	sst s1;
	(tag) =	ssettag s2;
	_ =	strace s9  }
0x27: {  	s1 =	sld [smem:$0x3FB0]  }
0x28: {  	s2 =	sld [smem:$0x3FB1]  }
0x29: {  	s4 =	sld [smem:$0x3FB3]  }
0x2a: {  	p0 =	seq.s32 s5, $0x0;
	s5 =	sld [smem:$0x3FB4]  }
0x2b: {  	s6 =	sld [smem:$0x3FB5]  }
0x2c: {  	s7 =	sld [smem:$0x3FB6]  }
0x2d: {  	s3 =	simm.s32 $0x108;
	s8 =	sld [smem:$0x3FB7]  }
0x2e: {  	s3 =	simm.s32 @!p0 $0x1082;
	s9 =	sld [smem:$0x3FB8]  }
0x2f: {  	lr =	sadd.s32 s0, s3;
	s0 =	sld [smem:$0x3FAF]  }
0x30: {  	s3 =	sld [smem:$0x3FB2]  }
0x31: {  	[smem:$0x3FBB] =	sst s10  }
0x32: {  	s10 =	sld [smem:$0x3FB9];
	_ =	sdelay $0x3  }
0x33: {  	p0 =	seq.s32 s10, $0x1;
	s10 =	sld [smem:$0x3FBB];
	_ =	sdelay $0x3  }
0x34: {  	[smem:$0x3FBB] =	sst s10  }
0x35: {  	s10 =	sld [smem:$0x3FBA];
	_ =	sdelay $0x3  }
0x36: {  	p1 =	seq.s32 s10, $0x1;
	s10 =	sld [smem:$0x3FBB];
	_ =	sdelay $0x3  }
0x37: {  	[smem:$0x3FBB] =	sst s10  }
0x38: {  	s10 =	sld [smem:$0x3FBC]  }
0x39: {  	_ = 	snop;
	(pc) =	sbr.ind lr, $3  }
0x3a: {  	_ = 	snop  }
0x3b: {  	_ = 	snop  }
0x3c: {  	p2 =	seq.s32 s10, $0x1;
	s10 =	sld [smem:$0x3FBB]  }
0x3d: {  	_ =	shalt  }
0x3e: {  	_ =	shalt  }
0x3f: {  	_ =	shalt  }
0x40: {  	_ =	shalt  }
0x41: {  	_ =	shalt  }
0x42: {  	_ =	shalt  }
0x43: {  	_ =	shalt  }
0x44: {  	_ =	shalt  }
0x45: {  	_ =	shalt  }
0x46: {  	_ =	shalt  }
0x47: {  	_ =	shalt  }
0x48: {  	_ =	shalt  }
0x49: {  	_ =	shalt  }
0x4a: {  	_ =	shalt  }
0x4b: {  	_ =	shalt  }
0x4c: {  	_ =	shalt  }
0x4d: {  	_ =	shalt  }
0x4e: {  	_ =	shalt  }
0x4f: {  	_ =	shalt  }
0x50: {  	_ =	shalt  }
0x51: {  	_ =	shalt  }
0x52: {  	_ =	shalt  }
0x53: {  	_ =	shalt  }
0x54: {  	_ =	shalt  }
0x55: {  	_ =	shalt  }
0x56: {  	_ =	shalt  }
0x57: {  	_ =	shalt  }
0x58: {  	_ =	shalt  }
0x59: {  	_ =	shalt  }
0x5a: {  	_ =	shalt  }
0x5b: {  	_ =	shalt  }
0x5c: {  	_ =	shalt  }
0x5d: {  	_ =	shalt  }
0x5e: {  	_ =	shalt  }
0x5f: {  	_ =	shalt  }
0x60: {  	_ =	shalt  }
0x61: {  	_ =	shalt  }
0x62: {  	_ =	shalt  }
0x63: {  	_ =	shalt  }
0x64: {  	_ =	shalt  }
0x65: {  	_ =	shalt  }
0x66: {  	_ =	shalt  }
0x67: {  	_ =	shalt  }
0x68: {  	_ =	shalt  }
0x69: {  	_ =	shalt  }
0x6a: {  	_ =	shalt  }
0x6b: {  	_ =	shalt  }
0x6c: {  	_ =	shalt  }
0x6d: {  	_ =	shalt  }
0x6e: {  	_ =	shalt  }
0x6f: {  	_ =	shalt  }
0x70: {  	_ =	shalt  }
0x71: {  	_ =	shalt  }
0x72: {  	_ =	shalt  }
0x73: {  	_ =	shalt  }
0x74: {  	_ =	shalt  }
0x75: {  	_ =	shalt  }
0x76: {  	_ =	shalt  }
0x77: {  	_ =	shalt  }
0x78: {  	_ =	shalt  }
0x79: {  	_ =	shalt  }
0x7a: {  	_ =	shalt  }
0x7b: {  	_ =	shalt  }
0x7c: {  	_ =	shalt  }
0x7d: {  	_ =	shalt  }
0x7e: {  	_ =	shalt  }
0x7f: {  	_ =	shalt  }
0x80: {  	_ =	shalt  }
0x81: {  	_ =	shalt  }
0x82: {  	_ =	shalt  }
0x83: {  	_ =	shalt  }
0x84: {  	_ =	shalt  }
0x85: {  	_ =	shalt  }
0x86: {  	_ =	shalt  }
0x87: {  	_ =	shalt  }
.Lfunc_end0:
.L_simem_size_0:
called_computation_lowered:
.L_overlay_start_0:
0x88: {  	s2 =	sld [smem:$0x3FD9]  }
0x89: {  	s3 =	sld [smem:$0x3FFE];
	_ =	sdelay $0x1  }
0x8a: {  	s1 =	srdreg.scid  }
0x8b: {  	s0 =	sand.u32 $0x1, s1  }
0x8c: {  	s15 =	sshll.u32 s0, $0xA;
	s2 =	sadd.s32 s3, s2  }
0x8d: {  	s2 =	sadd.s32 s2, s15  }
0x8e: {  	[smem:$0x3FC7] =	sst s2  }
0x8f: {  	_ = 	snop  }
0x90: {  	s2 =	sld [smem:$0x3FD0];
	_ =	sdelay $0x2  }
0x91: {  	s4 =	simm.s32 $0xA;
	s5 =	simm.s32 $0x10;
	s16 =	sld [smem:$0x3FC9]  }
0x92: {  	[smem:s5], [sflag:s4] =	dma.local [hbm:s2], $0x1  }
0x93: {  	_ =	swait.eq [sflag:s4], $0x1  }
0x94: {  	[sflag:s4] =	ssyncset.done $0x0  }
0x95: {  	s17 =	sld [smem:$0x10];
	[sflag:s4] =	ssyncadd.s32 $0xFFFFFFFF  }
0x96: {  	s18 =	sld [smem:$0x11];
	(tm) =	ssettm $0x1  }
0x97: {  	s19 =	sld [smem:$0x3FFB];
	_ =	sdelay $0x3  }
0x98: {  	_ =	strace s19  }
0x99: {  	s5 =	sld [smem:$0x3FFC];
	_ =	sdelay $0x3  }
0x9a: {  	_ =	strace s5  }
0x9b: {  	s5 =	sld [smem:$0x3FFD];
	_ =	sdelay $0x3  }
0x9c: {  	_ =	strace s5  }
0x9d: {  	_ =	strace $0x8FFFFFFF  }
0x9e: {  	s20 =	sld [smem:$0x3FDB];
	_ =	sdelay $0x1  }
0x9f: {  	s6 =	simm.s32 $_scs_section_size  }
0xa0: {  	s7 =	simm.s32 $_size__tile_overlayer_lowered;
	s8 =	simm.s32 $_tile_overlayer_lowered  }
0xa1: {  	s23 =	simm.s32 $0x1BFF;
	s22 =	sshll.u32 s8, $0x1;
	s5 =	sadd.s32 s6, s20  }
0xa2: {  	s9 =	simm.s32 $0x0;
	s21 =	sshll.u32 s7, $0x1;
	s7 =	sadd.s32 s22, s5  }
0xa3: {  	[timem:s9], [sflag:s23] =	dma.local [hbm:s7], s21  }
0xa4: {  	_ =	swait.ge [sflag:s23], s21  }
0xa5: {  	s6 =	ssub.s32 $0x0, s21;
	[sflag:s23] =	ssyncset.done $0x0  }
0xa6: {  	[sflag:s23] =	ssyncadd.s32 s6;
	_ =	sdelay $0x1  }
0xa7: {  	s24 =	simm.s32 $0x1B8B  }
0xa8: {  	_ =	swait.ge [sflag:s24], $0x1  }
0xa9: {  	[sflag:s24] =	ssyncset.done $0x0  }
0xaa: {  	s25 =	simm.s32 $0x1B8E;
	[sflag:s24] =	ssyncadd.s32 $0xFFFFFFFF  }
0xab: {  	s26 =	simm.s32 $execute0_lowered;
	[smem:$0x3FD2] =	sst s25  }
0xac: {  	s6 =	sshll.u32 s26, $0x1;
	_ =	strace $0x80000046;
	[dreg:$0x1] =	wrdreg $0xFFFFFFFF  }
0xad: {  	s28 =	simm.s32 $_size_execute0_lowered;
	s5 =	sadd.s32 s5, s6;
	[dreg:$0x0] =	wrdreg $0x0  }
0xae: {  	s6 =	sshll.u32 s28, $0x1;
	[dreg:$0x2] =	wrdreg s5  }
0xaf: {  	[dreg:$0x3] =	wrdreg s6  }
0xb0: {  	[dreg:$0x4] =	wrdreg $0xC0  }
0xb1: {  	_ =	task [dreg:s9], $0x5FFFF  }
0xb2: {  	[dreg:$0x1] =	wrdreg $0xFFFFFFFF  }
0xb3: {  	[dreg:$0x0] =	wrdreg $0x60  }
0xb4: {  	[dreg:$0x2] =	wrdreg s16  }
0xb5: {  	[dreg:$0x3] =	wrdreg s17  }
0xb6: {  	[dreg:$0x4] =	wrdreg s18  }
0xb7: {  	[dreg:$0x5] =	wrdreg $0x9  }
0xb8: {  	_ =	task.clear_ibuf [dreg:s9], $0x6FFFF;
	_ =	strace $0x90000046  }
0xb9: {  	s29 =	simm.s32 $0x9;
	_ =	strace $0x80000048  }
0xba: {  	_ =	swait.ge [sflag:s29], $0x1  }
0xbb: {  	[sflag:s29] =	ssyncadd.s32 $0xFFFFFFFF  }
0xbc: {  	_ =	strace $0x90000048  }
0xbd: {  	_ =	sfence  }
0xbe: {  	s30 =	sld [smem:$0x0];
	_ =	sdelay $0x2  }
0xbf: {  	s31 =	sshll.u32 s1, $0xD;
	s1 =	sshrl.u32 s1, $0x2  }
0xc0: {  	s3 =	sand.u32 $0x4000, s31;
	s1 =	sadd.s32 s1, s30  }
0xc1: {  	s0 =	sor.u32 s3, s0;
	s1 =	sshll.u32 s1, $0x11  }
0xc2: {  	s0 =	sor.u32 s1, s0  }
0xc3: {  	s0 =	sadd.s32 $0x8F2B, s0  }
0xc4: {  	[sflag:s0] =	ssyncadd.remote.s32 $0x1  }
0xc5: {  	_ =	sfence.sel $0xFFFF  }
0xc6: {  	[dreg:$0x0] =	wrdreg $0xFFFFFFFF;
	(pc) =	sbr.abs _section_cstart, $3  }
0xc7: {  	[dreg:$0x1] =	wrdreg $0xFFFFFFFF  }
0xc8: {  	_ =	task.clear_ibuf [dreg:s9], $0x2FFFF;
	_ =	strace $0x9FFFFFFF  }
0xc9: {  	(tm) =	ssettm $0x7FFFFFFF  }
tec
execute0_lowered:
.L_overlay_start_1:
0x0: {  	(tag) =	ssettag $0x1  }
0x1: {  	s4 =	rddreg [dreg:$0x0]  }
0x2: {  	s5 =	rddreg [dreg:$0x1]  }
0x3: {  	s1 =	srdreg.scid;
	s0 =	stileid.u32  }
0x4: {  	s6 =	rddreg [dreg:$0x2];
	s3 =	sand.u32 $0x1, s1;
	s2 =	sshll.u32 s0, $0x1  }
0x5: {  	s11 =	simm.s32 $0x0;
	s1 =	rddreg [dreg:$0x3];
	s8 =	sor.u32 s3, s2  }
0x6: {  	s2 =	simm.s32 $0x0;
	s3 =	ssub.s32 $0x2, s3;
	s7 =	smul.u32 $0xA00, s8  }
.Ltmp0:
0x7: {  	[smem:$0x7FF] =	sst s2;
	s9 =	sshrl.u32 s3, $0x1;
	(pc) =	sbr.rel .LBB2_1-.Ltmp0, $4  }
0x8: {  	s10 =	smul.u32 $0x500, s8;
	p0 =	seq.s32 s8, $0x1F;
	s8 =	simm.s32 $0x1  }
0x9: {  	_ =	strace $0x80000047;
	s9 =	ssub.s32 s3, s9;
	s3 =	sadd.s32 s4, s7  }
0xa: {  	s4 =	sadd.s32 $0x13600, s4;
	s5 =	sadd.s32 s5, s10;
	s6 =	sadd.s32 s6, s10  }
0xb: {  	v0 =	vimm.f32 $0.0e+00;
	v1 =	vimm.f32 $1.000000000e+00;
	v2 =	vlaneseq.u32;
	s7 =	smax.u32 s9, $0x1;
	s9 =	simm.s32 $0x5000;
	s10 =	simm.s32 $0x7800  }
.LBB2_6:
0xc: {  	v3 =	vld [tilespmem:s15+$0x80];
	_ =	sdelay $0x2  }
0xd: {  	v4 =	vld [tilespmem:s15+$0x0];
	_ =	sdelay $0x3  }
0xe: {  	v5 =	vshll.u32 v3, $0x10  }
0xf: {  	s12 =	sadd.s32 $0x10, s12;
	[tilespmem:v3+s9+$0x0] =	vst.idx.add.f32.msk $0xffff, v1;
	v3 =	vor.u32 v4, v5  }
0x10: {  	[tilespmem:s12+$0x0] =	vst v3  }
.LBB2_12:
0x11: {  	[hbm4b:s5+s2] =	stream.linear.scatter [tilespmem:s9], [sflag:$0x1], $0x2800, $0x38;
	[tilespmem:$0xA000] =	vst v63  }
0x12: {  	s11 =	sadd.s32 $0x1, s11;
	_ =	swait.ge [sflag:s8], $0x2800  }
0x13: {  	p1 =	sne.s32 s11, s7;
	[sflag:s8] =	ssyncset.done $0x0  }
.Ltmp1:
0x14: {  	[sflag:s8] =	ssyncadd.s32 $0xFFFFD800;
	(pc) =	sbr.rel @!p1 .LBB2_13-.Ltmp1, $4  }
0x15: {  	[hbm4b:s6+s2] =	stream.linear.scatter [tilespmem:s10], [sflag:$0x1], $0x2800, $0x38;
	[tilespmem:$0xA000] =	vst v63  }
0x16: {  	_ =	swait.ge [sflag:s8], $0x2800  }
0x17: {  	[sflag:s8] =	ssyncset.done $0x0  }
0x18: {  	[sflag:s8] =	ssyncadd.s32 $0xFFFFD800  }
.LBB2_1:
0x19: {  	s12 =	simm.s32 $0x70;
	s13 =	simm.s32 $0x3C0  }
.LBB2_2:
0x1a: {  	p1 =	sne.s32 s13, $0x9FC0;
	[tilespmem:s12+$0x5000] =	vst v0  }
0x1b: {  	[tilespmem:s12+$0x4F90] =	vst v0  }
0x1c: {  	[tilespmem:s12+$0x4FA0] =	vst v0  }
.Ltmp2:
0x1d: {  	[tilespmem:s12+$0x4FB0] =	vst v0;
	(pc) =	sbr.rel @p1 .LBB2_2-.Ltmp2, $4  }
0x1e: {  	[tilespmem:s12+$0x4FC0] =	vst v0  }
0x1f: {  	[tilespmem:s12+$0x4FD0] =	vst v0  }
0x20: {  	[tilespmem:s12+$0x4FE0] =	vst v0  }
0x21: {  	[tilespmem:s12+$0x4FF0] =	vst v0;
	s12 =	sshra.s32 s13, $0x2;
	s13 =	sadd.s32 $0x200, s13  }
0x22: {  	[tilespmem:s12+$0x5000] =	vst v0  }
0x23: {  	[tilespmem:s12+$0x4F90] =	vst v0  }
0x24: {  	[tilespmem:s12+$0x4FA0] =	vst v0  }
.Ltmp3:
0x25: {  	[tilespmem:s12+$0x4FB0] =	vst v0;
	(pc) =	sbr.rel @!p0 .LBB2_4-.Ltmp3, $4  }
0x26: {  	[tilespmem:s12+$0x4FC0] =	vst v0  }
0x27: {  	[tilespmem:s12+$0x4FD0] =	vst v0  }
0x28: {  	[tilespmem:s12+$0x4FE0] =	vst v0  }
0x29: {  	[tilespmem:s12+$0x4FF0] =	vst v0  }
0x2a: {  	s13 =	simm.s32 $0x0  }
0x2b: {  	[tilespmem:s13], [sflag:$0x1] =	stream.linear.gather [hbm4b:s4+s13], $0x1400, $0x38;
	[tilespmem:$0xA000] =	vst v63  }
0x2c: {  	_ =	swait.ge [sflag:s8], $0x1400  }
0x2d: {  	s12 =	sand.u32 $0x70, s13;
	s14 =	sand.u32 $0x1F00, s13;
	[sflag:s8] =	ssyncset.done $0x0  }
0x2e: {  	s12 =	sor.u32 s12, s14;
	[sflag:s8] =	ssyncadd.s32 $0xFFFFEC00  }
0x2f: {  	v3 =	vld [tilespmem:s12+$0x80];
	_ =	sdelay $0x2  }
0x30: {  	v4 =	vld [tilespmem:s12+$0x0];
	_ =	sdelay $0x3  }
0x31: {  	s15 =	simm.s32 $0x20;
	s12 =	simm.s32 $0x10;
	v5 =	vshll.u32 v3, $0x10  }
0x32: {  	s17 =	sand.u32 $0x1F00, s15;
	s14 =	simm.s32 $0x7800;
	s16 =	sand.u32 $0x70, s12;
	[tilespmem:v3+s9+$0x0] =	vst.idx.add.f32.msk $0xffff, v1;
	v3 =	vor.u32 v4, v5  }
0x33: {  	s17 =	sor.u32 s16, s17;
	s16 =	simm.s32 $0x20;
	[tilespmem:s14+$0x0] =	vst v3  }
.LBB2_8:
0x34: {  	p1 =	sne.s32 s16, $0x9F0;
	v3 =	vld [tilespmem:s17+$0x80];
	_ =	sdelay $0x2  }
0x35: {  	v4 =	vld [tilespmem:s17+$0x0];
	_ =	sdelay $0x1  }
.Ltmp4:
0x36: {  	(pc) =	sbr.rel @p1 .LBB2_8-.Ltmp4, $4  }
0x37: {  	_ = 	snop  }
0x38: {  	s15 =	sadd.s32 $0x20, s15;
	v5 =	vshll.u32 v3, $0x10  }
0x39: {  	s14 =	sadd.s32 $0x10, s14;
	s18 =	sand.u32 $0x1F00, s15;
	s17 =	sand.u32 $0x70, s16;
	[tilespmem:v3+s9+$0x0] =	vst.idx.add.f32.msk $0xffff, v1;
	v3 =	vor.u32 v4, v5  }
0x3a: {  	s16 =	sadd.s32 $0x10, s16;
	s17 =	sor.u32 s17, s18;
	[tilespmem:s14+$0x0] =	vst v3  }
0x3b: {  	v4 =	vor.u32 s13, v2  }
0x3c: {  	v3 =	vmul.u32 $0xD, v4  }
0x3d: {  	v5 =	vld [tilespmem:s17+$0x80];
	v6 =	vmulhi.u32 $0x88888889, v4  }
0x3e: {  	v7 =	vadd.s32 $0x1, v3  }
0x3f: {  	v6 =	vshrl.u32 v6, $0x7;
	v3 =	vmulhi.u32 $0xD1B71759, v7  }
0x40: {  	v8 =	vld [tilespmem:s17+$0x0];
	v6 =	vmul.u32 $0xF0, v6  }
0x41: {  	v9 =	vshrl.u32 v3, $0xD;
	v3 =	vor.u32 s12, v2  }
0x42: {  	v4 =	vsub.s32 v4, v6;
	v9 =	vmul.u32 $0x2710, v9;
	v6 =	vmul.u32 $0xD, v3  }
0x43: {  	v10 =	vshll.u32 v5, $0x10;
	v63 =	vmulhi.u32 $0x88888889, v3  }
0x44: {  	v11 =	vshll.u32 v4, $0x10;
	v7 =	vsub.s32 v7, v9;
	v4 =	vadd.s32 $0x1, v6  }
0x45: {  	s14 =	sadd.s32 $0x10, s14;
	[tilespmem:v5+s9+$0x0] =	vst.idx.add.f32.msk $0xffff, v1;
	v5 =	vor.u32 v8, v10;
	v8 =	vor.u32 v7, v11;
	v6 =	vmulhi.u32 $0xD1B71759, v4  }
0x46: {  	s13 =	sand.u32 $0x1FF0, s13;
	[tilespmem:s14+$0x0] =	vst v5;
	s14 =	simm.s32 $0x20;
	v7 =	vshrl.u32 v63, $0x7;
	v5 =	vadd.s32 $0x27100000, v8  }
.LBB2_10:
0x47: {  	v8 =	vor.u32 s14, v2;
	p1 =	sne.s32 s14, $0x1DF0;
	v6 =	vshrl.u32 v6, $0xD;
	v7 =	vmul.u32 $0xF0, v7;
	[tilespmem:s13+$0x8200] =	vst v5;
	s15 =	smov.u32 s14;
	s14 =	sadd.s32 $0x10, s14  }
.Ltmp5:
0x48: {  	v5 =	vmul.u32 $0xD, v8;
	v6 =	vmul.u32 $0x2710, v6;
	(pc) =	sbr.rel @p1 .LBB2_10-.Ltmp5, $4  }
0x49: {  	v9 =	vmulhi.u32 $0x88888889, v8;
	v7 =	vsub.s32 v3, v7;
	v3 =	vmov v8  }
0x4a: {  	v8 =	vsub.s32 v4, v6;
	v4 =	vadd.s32 $0x1, v5;
	v5 =	vshll.u32 v7, $0x10  }
0x4b: {  	v6 =	vmulhi.u32 $0xD1B71759, v4;
	v5 =	vor.u32 v8, v5  }
0x4c: {  	s13 =	sand.u32 $0x1FF0, s12;
	s12 =	smov.u32 s15;
	v7 =	vshrl.u32 v9, $0x7;
	v5 =	vadd.s32 $0x27100000, v5  }
0x4d: {  	v6 =	vshrl.u32 v6, $0xD;
	v7 =	vmul.u32 $0xF0, v7  }
0x4e: {  	v6 =	vmul.u32 $0x2710, v6  }
.Ltmp6:
0x4f: {  	v3 =	vsub.s32 v3, v7;
	(pc) =	sbr.rel .LBB2_12-.Ltmp6, $4  }
0x50: {  	v4 =	vsub.s32 v4, v6;
	v3 =	vshll.u32 v3, $0x10  }
0x51: {  	v3 =	vor.u32 v4, v3  }
0x52: {  	[tilespmem:s13+$0x8200] =	vst v5;
	s12 =	sand.u32 $0x1FF0, s12;
	v3 =	vadd.s32 $0x27100000, v3  }
0x53: {  	[tilespmem:s12+$0x8200] =	vst v3  }
.LBB2_4:
0x54: {  	s12 =	simm.s32 $0x0  }
0x55: {  	[tilespmem:s12], [sflag:$0x1] =	stream.linear.gather [hbm4b:s3+s12], $0x5000, $0x38;
	[tilespmem:$0xA000] =	vst v63  }
0x56: {  	_ =	swait.ge [sflag:s8], $0x5000  }
0x57: {  	s13 =	sand.u32 $0x70, s12;
	s12 =	sand.u32 $0x7F00, s12;
	[sflag:s8] =	ssyncset.done $0x0  }
0x58: {  	s12 =	sor.u32 s13, s12;
	[sflag:s8] =	ssyncadd.s32 $0xFFFFB000  }
0x59: {  	v3 =	vld [tilespmem:s12+$0x80];
	_ =	sdelay $0x2  }
0x5a: {  	v4 =	vld [tilespmem:s12+$0x0];
	_ =	sdelay $0x3  }
0x5b: {  	s14 =	simm.s32 $0x10;
	s13 =	simm.s32 $0x20;
	v5 =	vshll.u32 v3, $0x10  }
0x5c: {  	s14 =	sand.u32 $0x70, s14;
	s15 =	sand.u32 $0x7F00, s13;
	s12 =	simm.s32 $0x7800;
	[tilespmem:v3+s9+$0x0] =	vst.idx.add.f32.msk $0xffff, v1;
	v3 =	vor.u32 v4, v5  }
0x5d: {  	s15 =	sor.u32 s14, s15;
	s14 =	simm.s32 $0x20;
	[tilespmem:s12+$0x0] =	vst v3  }
.LBB2_5:
0x5e: {  	p1 =	seq.s32 s14, $0x27F0;
	v3 =	vld [tilespmem:s15+$0x80];
	_ =	sdelay $0x2  }
0x5f: {  	v4 =	vld [tilespmem:s15+$0x0];
	_ =	sdelay $0x1  }
.Ltmp7:
0x60: {  	(pc) =	sbr.rel @!p1 .LBB2_5-.Ltmp7, $4  }
0x61: {  	_ = 	snop  }
0x62: {  	s13 =	sadd.s32 $0x20, s13;
	v5 =	vshll.u32 v3, $0x10  }
0x63: {  	s12 =	sadd.s32 $0x10, s12;
	s16 =	sand.u32 $0x7F00, s13;
	s15 =	sand.u32 $0x70, s14;
	[tilespmem:v3+s9+$0x0] =	vst.idx.add.f32.msk $0xffff, v1;
	v3 =	vor.u32 v4, v5  }
0x64: {  	s14 =	sadd.s32 $0x10, s14;
	s15 =	sor.u32 s15, s16;
	[tilespmem:s12+$0x0] =	vst v3  }
.Ltmp8:
0x65: {  	_ = 	snop;
	(pc) =	sbr.rel .LBB2_6-.Ltmp8, $1  }
0x66: {  	_ =	sdelay $0x3  }
.LBB2_13:
0x67: {  	_ =	sfence.sel $0x180000  }
0x68: {  	[bflag:$0x0] =	sbarrier.arrive $0xFFFF  }
0x69: {  	p0 =	sne.s32 s0, $0x0;
	_ =	strace $0x90000047  }
0x6a: {  	s0 =	sadd.s32 @!p0 $0x100000, s1;
	[bflag:$0x2] =	sbarrier.arrive $0xFFFF  }
0x6b: {  	[sflag:s0] =	ssyncadd.tile.s32 @!p0 $0x1;
	_ =	shalt  }
.Lfunc_end2:
_tile_overlayer_lowered:
.L_overlay_start_2:
0x6c: {  	(tag) =	ssettag $0x2  }
0x6d: {  	s0 =	rddreg [dreg:$0x0];
	s2 =	stileid.u32  }
0x6e: {  	s1 =	rddreg [dreg:$0x1];
	p0 =	sne.s32 s2, $0x0  }
0x6f: {  	s3 =	rddreg [dreg:$0x2];
	[bflag:$0x3] =	sbarrier.arrive $0xFFFF;
	s2 =	simm.s32 @!p0 $0x1C01  }
0x70: {  	[timem:s3], [sflag:s2] =	dma.local @!p0 [hbm:s0], s1  }
0x71: {  	s0 =	simm.s32 @!p0 $0x1  }
0x72: {  	_ =	swait.ge @!p0 [sflag:s0], s1  }
0x73: {  	s1 =	ssub.s32 @!p0 $0x0, s1;
	[sflag:s0] =	ssyncset.done @!p0 $0x0  }
0x74: {  	[sflag:s0] =	ssyncadd.s32 @!p0 s1  }
0x75: {  	[bflag:$0x3] =	sbarrier.arrive $0xFFFF  }
0x76: {  	_ =	shalt  }

</sc_bundles>
